<compile_context>
chip_gen: v7x
topology: tpu7x:2x2x1
jax: 0.10.2.dev20260603
libtpu: 0.0.44.dev20260713+nightly
codegen_flags: <defaults>
</compile_context>

<pallas_src>
import functools

import jax
import jax.numpy as jnp
from jax import lax
from jax.experimental import pallas as pl
from jax.experimental.pallas import tpu as pltpu
from jax.experimental.pallas import tpu_sc as plsc

N_AT = 32768
N_MOLS = 16
N_ELEM = 100
DIM = 256
TBLW = 128

_NC = 2
_NS = 16
_L = 16
_NW = _NC * _NS
_CHUNK = N_AT // _NW
_NVEC = _CHUNK // _L
_UNROLL = 8


def _round_bf16_vec(x):
    u = lax.bitcast_convert_type(x, jnp.uint32)
    u = u + jnp.uint32(0x7FFF) + ((u >> jnp.uint32(16)) & jnp.uint32(1))
    u = u & jnp.uint32(0xFFFF0000)
    return lax.bitcast_convert_type(u, jnp.float32)


@functools.cache
def _make_sc_hist():
    mesh = plsc.VectorSubcoreMesh(
        core_axis_name="c", subcore_axis_name="s", num_cores=_NC
    )
    return functools.partial(
        pl.kernel,
        mesh=mesh,
        compiler_params=pltpu.CompilerParams(needs_layout_passes=False),
        out_type=jax.ShapeDtypeStruct((_NW, N_MOLS, TBLW), jnp.float32),
        scratch_types=[
            pltpu.VMEM((_CHUNK,), jnp.int32),
            pltpu.VMEM((_CHUNK,), jnp.int32),
            pltpu.VMEM((_CHUNK,), jnp.float32),
            pltpu.VMEM((_CHUNK,), jnp.float32),
            pltpu.VMEM((_CHUNK,), jnp.float32),
            pltpu.VMEM((N_MOLS, TBLW), jnp.float32),
            pltpu.VMEM((_L * 16,), jnp.float32),
            pltpu.VMEM((_L * 16,), jnp.float32),
            pltpu.VMEM((_L * 16,), jnp.float32),
            pltpu.SemaphoreType.DMA,
        ],
    )(_sc_hist_body)


def _sc_hist_body(a_hbm, b_hbm, x_hbm, y_hbm, z_hbm, out_hbm,
                  a_v, b_v, x_v, y_v, z_v, acc, stx, sty, stz, sem):
    wid = lax.axis_index("s") * _NC + lax.axis_index("c")
    base = wid * _CHUNK
    cps = [
        pltpu.make_async_copy(a_hbm.at[pl.ds(base, _CHUNK)], a_v, sem),
        pltpu.make_async_copy(b_hbm.at[pl.ds(base, _CHUNK)], b_v, sem),
        pltpu.make_async_copy(x_hbm.at[pl.ds(base, _CHUNK)], x_v, sem),
        pltpu.make_async_copy(y_hbm.at[pl.ds(base, _CHUNK)], y_v, sem),
        pltpu.make_async_copy(z_hbm.at[pl.ds(base, _CHUNK)], z_v, sem),
    ]
    for cp in cps:
        cp.start()

    zeros = jnp.zeros((_L,), jnp.float32)

    def zbody(i, c):
        for j in range(TBLW // _L):
            acc[i, pl.ds(j * _L, _L)] = zeros
        return c

    lax.fori_loop(0, N_MOLS, zbody, 0)

    def zbody2(i, c):
        stx[pl.ds(i * _L, _L)] = zeros
        sty[pl.ds(i * _L, _L)] = zeros
        stz[pl.ds(i * _L, _L)] = zeros
        return c

    lax.fori_loop(0, 16, zbody2, 0)

    for cp in cps:
        cp.wait()

    ones = jnp.ones((_L,), jnp.float32)
    iota = lax.iota(jnp.int32, _L)
    lane16 = iota * _L

    def step(off):
        av = a_v[pl.ds(off, _L)]
        bv = b_v[pl.ds(off, _L)]
        x = x_v[pl.ds(off, _L)]
        y = y_v[pl.ds(off, _L)]
        z = z_v[pl.ds(off, _L)]
        plsc.addupdate_scatter(acc, [bv, av], ones)
        sp = lane16 + bv
        plsc.addupdate_scatter(stx, [sp], x)
        plsc.addupdate_scatter(sty, [sp], y)
        plsc.addupdate_scatter(stz, [sp], z)

    def body(i, c):
        step(i * 2 * _L)
        step((i * 2 + 1) * _L)
        return c

    lax.fori_loop(0, _NVEC // 2, body, 0)

    def fold(l, carry):
        v0, v1, v2 = carry
        o = l * _L
        v0 = v0 + stx[pl.ds(o, _L)]
        v1 = v1 + sty[pl.ds(o, _L)]
        v2 = v2 + stz[pl.ds(o, _L)]
        return (v0, v1, v2)

    v0, v1, v2 = lax.fori_loop(0, _L, fold, (zeros, zeros, zeros))
    col = jnp.full((_L,), 0, jnp.int32)
    plsc.store_scatter(acc, [iota, col + 100], v0)
    plsc.store_scatter(acc, [iota, col + 101], v1)
    plsc.store_scatter(acc, [iota, col + 102], v2)

    pltpu.sync_copy(acc, out_hbm.at[wid])


def _erf(x):
    s = jnp.sign(x)
    ax = jnp.abs(x)
    t = 1.0 / (1.0 + 0.3275911 * ax)
    poly = t * (0.254829592 + t * (-0.284496736 + t * (1.421413741
           + t * (-1.453152027 + t * 1.061405429))))
    return s * (1.0 - poly * jnp.exp(-ax * ax))


def _tc_mlp_body(part_ref, emb_ref, p_ref, w1_ref, b1_ref, w2_ref, b2_ref,
                 out_ref, wext_ref):
    wext_ref[0:N_ELEM, :] = emb_ref[...]
    wext_ref[N_ELEM:N_ELEM + 3, :] = _round_bf16_vec(p_ref[...])
    wext_ref[N_ELEM + 3:TBLW, :] = jnp.zeros(
        (TBLW - N_ELEM - 3, DIM), jnp.float32)

    s = jnp.sum(part_ref[...], axis=0)
    red = jnp.dot(s, wext_ref[...], precision=lax.Precision.HIGHEST,
                  preferred_element_type=jnp.float32)
    h = jnp.dot(red, w1_ref[...],
                preferred_element_type=jnp.float32) + b1_ref[...]
    g = h * 0.5 * (1.0 + _erf(h * 0.7071067811865476))
    out_ref[...] = (
        jnp.dot(_round_bf16_vec(g), _round_bf16_vec(w2_ref[...]),
                precision=lax.Precision.HIGHEST,
                preferred_element_type=jnp.float32) + b2_ref[...]
    )


def kernel(atomic_numbers, pos, batch, embed, P, W1, b1, W2, b2):
    a = atomic_numbers.astype(jnp.int32)
    b = batch.astype(jnp.int32)
    posf = _round_bf16_vec(pos.astype(jnp.float32))
    px, py, pz = posf[:, 0], posf[:, 1], posf[:, 2]

    part = _make_sc_hist()(a, b, px, py, pz)

    out = pl.pallas_call(
        _tc_mlp_body,
        out_shape=jax.ShapeDtypeStruct((N_MOLS, 1), jnp.float32),
        scratch_shapes=[pltpu.VMEM((TBLW, DIM), jnp.float32)],
    )(part, embed, P, W1, b1.reshape(1, DIM), W2, b2.reshape(1, 1))
    return out

# --- scband reference (transcript-rebuilt; emitter-appended) ---
"""Pipeline reference for scband-proposed-energy-model-41360535060872 (READ-ONLY COPY).

The authoritative reference and input builder live on the scoring server;
editing this copy changes nothing except your own understanding.
"""

import jax, jax.numpy as jnp
import numpy as np

N_ATOMS = 32768
N_MOL = 16
MODEL_DIMS = 256
OUTPUT_DIMS = 1
NUM_ELEMENTS = 100


def setup_inputs(seed: int = 0) -> dict:
    key = jax.random.key(seed)
    ks = jax.random.split(key, 9)
    atomic_numbers = jax.random.randint(ks[0], (N_ATOMS,), 0, NUM_ELEMENTS)
    pos = jax.random.normal(ks[1], (N_ATOMS, 3), dtype=jnp.float32)
    batch = jnp.sort(jax.random.randint(ks[2], (N_ATOMS,), 0, N_MOL))
    # atom_rr parameters (synthetic best-proposal implementation): element
    # embedding table + positional projection, reduced by per-molecule sum
    embed = jax.random.normal(ks[3], (NUM_ELEMENTS, MODEL_DIMS), dtype=jnp.float32) * 0.02
    P = jax.random.normal(ks[4], (3, MODEL_DIMS), dtype=jnp.float32) * 0.02
    # self.net = Linear(D, D) -> GELU -> Linear(D, output_dims)
    W1 = jax.random.normal(ks[5], (MODEL_DIMS, MODEL_DIMS), dtype=jnp.float32) * 0.02
    b1 = jnp.zeros((MODEL_DIMS,), dtype=jnp.float32)
    W2 = jax.random.normal(ks[6], (MODEL_DIMS, OUTPUT_DIMS), dtype=jnp.float32) * 0.02
    b2 = jnp.zeros((OUTPUT_DIMS,), dtype=jnp.float32)
    return {"atomic_numbers": atomic_numbers, "pos": pos, "batch": batch,
            "embed": embed, "P": P, "W1": W1, "b1": b1, "W2": W2, "b2": b2}


def reference(atomic_numbers, pos, batch, embed, P, W1, b1, W2, b2):
    # atom_rr.prepare_inputs over each ragged molecule segment, then stack.
    # Equivalent to the python loop over data.batch in reduce_inputs: gather
    # element embeddings, add positional projection, segment-sum per molecule.
    feat = jnp.take(embed, atomic_numbers, axis=0) + pos @ P  # [N_ATOMS, D]
    reduced = jax.ops.segment_sum(feat, batch, num_segments=N_MOL)  # [N_MOL, D]
    # self.net: Linear -> GELU (exact, matching torch default) -> Linear
    h = jax.nn.gelu(reduced @ W1 + b1, approximate=False)
    y = h @ W2 + b2  # [N_MOL, OUTPUT_DIMS]
    return y

if __name__ == "__main__":
    import jax
    _d = setup_inputs()
    print(jax.jit(kernel)(*tuple(_d.values())))

</pallas_src>

<mosaic_0001>
#map = affine_map<(d0, d1) -> (0)>
#map1 = affine_map<(d0, d1) -> (0, 0, 0)>
module attributes {stable_mosaic.version = 14 : i64} {
  func.func @_sc_hist_body(%arg0: i32, %arg1: i32, %arg2: memref<32768xi32, #tpu.memory_space<hbm>>, %arg3: memref<32768xi32, #tpu.memory_space<hbm>>, %arg4: memref<32768xf32, #tpu.memory_space<hbm>>, %arg5: memref<32768xf32, #tpu.memory_space<hbm>>, %arg6: memref<32768xf32, #tpu.memory_space<hbm>>, %arg7: memref<32x16x128xf32, #tpu.memory_space<hbm>>, %arg8: memref<1024xi32, #tpu.memory_space<vmem>>, %arg9: memref<1024xi32, #tpu.memory_space<vmem>>, %arg10: memref<1024xf32, #tpu.memory_space<vmem>>, %arg11: memref<1024xf32, #tpu.memory_space<vmem>>, %arg12: memref<1024xf32, #tpu.memory_space<vmem>>, %arg13: memref<16x128xf32, #tpu.memory_space<vmem>>, %arg14: memref<256xf32, #tpu.memory_space<vmem>>, %arg15: memref<256xf32, #tpu.memory_space<vmem>>, %arg16: memref<256xf32, #tpu.memory_space<vmem>>, %arg17: memref<!tpu.dma_semaphore, #tpu.memory_space<semaphore_mem>>) attributes {dimension_semantics = [#tpu.dimension_semantics<core_parallel>, #tpu.dimension_semantics<subcore_parallel>], iteration_bounds = array<i64: 2, 16>, scalar_prefetch = 0 : i64, scratch_operands = 10 : i64, tpu.core_type = #tpu.core_type<sc_vector_subcore>, window_params = [{transform_indices = #map}, {transform_indices = #map}, {transform_indices = #map}, {transform_indices = #map}, {transform_indices = #map}, {transform_indices = #map1}]} {
    %mul3A = arith.constant 2 : i32
    %mul3A_0 = arith.muli %arg1, %mul3A : i32
    %add3A = arith.addi %mul3A_0, %arg0 : i32
    %mul3A_1 = arith.constant 1024 : i32
    %mul3A_2 = arith.muli %add3A, %mul3A_1 : i32
    %dma_start3A = tpu.memref_slice %arg2[%mul3A_2] : memref<32768xi32, #tpu.memory_space<hbm>> -> memref<1024xi32, #tpu.memory_space<hbm>>
    %dma_start3A_3 = tpu.memref_slice %arg2[%mul3A_2] : memref<32768xi32, #tpu.memory_space<hbm>> -> memref<1024xi32, #tpu.memory_space<hbm>>
    tpu.enqueue_dma source(%dma_start3A_3 : memref<1024xi32, #tpu.memory_space<hbm>>) target(%arg8 : memref<1024xi32, #tpu.memory_space<vmem>>) target_semaphore(%arg17 : memref<!tpu.dma_semaphore, #tpu.memory_space<semaphore_mem>>)
    %dma_start3A_4 = tpu.memref_slice %arg3[%mul3A_2] : memref<32768xi32, #tpu.memory_space<hbm>> -> memref<1024xi32, #tpu.memory_space<hbm>>
    %dma_start3A_5 = tpu.memref_slice %arg3[%mul3A_2] : memref<32768xi32, #tpu.memory_space<hbm>> -> memref<1024xi32, #tpu.memory_space<hbm>>
    tpu.enqueue_dma source(%dma_start3A_5 : memref<1024xi32, #tpu.memory_space<hbm>>) target(%arg9 : memref<1024xi32, #tpu.memory_space<vmem>>) target_semaphore(%arg17 : memref<!tpu.dma_semaphore, #tpu.memory_space<semaphore_mem>>)
    %dma_start3A_6 = tpu.memref_slice %arg4[%mul3A_2] : memref<32768xf32, #tpu.memory_space<hbm>> -> memref<1024xf32, #tpu.memory_space<hbm>>
    %dma_start3A_7 = tpu.memref_slice %arg4[%mul3A_2] : memref<32768xf32, #tpu.memory_space<hbm>> -> memref<1024xf32, #tpu.memory_space<hbm>>
    tpu.enqueue_dma source(%dma_start3A_7 : memref<1024xf32, #tpu.memory_space<hbm>>) target(%arg10 : memref<1024xf32, #tpu.memory_space<vmem>>) target_semaphore(%arg17 : memref<!tpu.dma_semaphore, #tpu.memory_space<semaphore_mem>>)
    %dma_start3A_8 = tpu.memref_slice %arg5[%mul3A_2] : memref<32768xf32, #tpu.memory_space<hbm>> -> memref<1024xf32, #tpu.memory_space<hbm>>
    %dma_start3A_9 = tpu.memref_slice %arg5[%mul3A_2] : memref<32768xf32, #tpu.memory_space<hbm>> -> memref<1024xf32, #tpu.memory_space<hbm>>
    tpu.enqueue_dma source(%dma_start3A_9 : memref<1024xf32, #tpu.memory_space<hbm>>) target(%arg11 : memref<1024xf32, #tpu.memory_space<vmem>>) target_semaphore(%arg17 : memref<!tpu.dma_semaphore, #tpu.memory_space<semaphore_mem>>)
    %dma_start3A_10 = tpu.memref_slice %arg6[%mul3A_2] : memref<32768xf32, #tpu.memory_space<hbm>> -> memref<1024xf32, #tpu.memory_space<hbm>>
    %dma_start3A_11 = tpu.memref_slice %arg6[%mul3A_2] : memref<32768xf32, #tpu.memory_space<hbm>> -> memref<1024xf32, #tpu.memory_space<hbm>>
    tpu.enqueue_dma source(%dma_start3A_11 : memref<1024xf32, #tpu.memory_space<hbm>>) target(%arg12 : memref<1024xf32, #tpu.memory_space<vmem>>) target_semaphore(%arg17 : memref<!tpu.dma_semaphore, #tpu.memory_space<semaphore_mem>>)
    %broadcast_in_dim3A = arith.constant 0.000000e+00 : f32
    %broadcast_in_dim3A_12 = vector.broadcast %broadcast_in_dim3A : f32 to vector<16xf32>
    %scan3A = arith.constant 0 : i32
    %scan3A_13 = arith.constant 0 : i32
    %scan3A_14 = arith.constant 16 : i32
    %scan3A_15 = arith.addi %scan3A_13, %scan3A_14 : i32
    %scan3A_16 = arith.constant 1 : i32
    scf.for %scan3A_61 = %scan3A_13 to %scan3A_15 step %scan3A_16  : i32 {
      %swap3A = arith.index_cast %scan3A_61 : i32 to index
      %swap3A_62 = arith.constant 0 : index
      %swap3A_63 = tpu.vector_load %arg13[%swap3A, %swap3A_62] {strides = array<i32>} : memref<16x128xf32, #tpu.memory_space<vmem>>, vector<16xf32>,
      tpu.vector_store %arg13[%swap3A, %swap3A_62], %broadcast_in_dim3A_12 {strides = array<i32>} : memref<16x128xf32, #tpu.memory_space<vmem>>, vector<16xf32>,
      %swap3A_64 = arith.index_cast %scan3A_61 : i32 to index
      %swap3A_65 = arith.constant 16 : index
      %swap3A_66 = tpu.vector_load %arg13[%swap3A_64, %swap3A_65] {strides = array<i32>} : memref<16x128xf32, #tpu.memory_space<vmem>>, vector<16xf32>,
      tpu.vector_store %arg13[%swap3A_64, %swap3A_65], %broadcast_in_dim3A_12 {strides = array<i32>} : memref<16x128xf32, #tpu.memory_space<vmem>>, vector<16xf32>,
      %swap3A_67 = arith.index_cast %scan3A_61 : i32 to index
      %swap3A_68 = arith.constant 32 : index
      %swap3A_69 = tpu.vector_load %arg13[%swap3A_67, %swap3A_68] {strides = array<i32>} : memref<16x128xf32, #tpu.memory_space<vmem>>, vector<16xf32>,
      tpu.vector_store %arg13[%swap3A_67, %swap3A_68], %broadcast_in_dim3A_12 {strides = array<i32>} : memref<16x128xf32, #tpu.memory_space<vmem>>, vector<16xf32>,
      %swap3A_70 = arith.index_cast %scan3A_61 : i32 to index
      %swap3A_71 = arith.constant 48 : index
      %swap3A_72 = tpu.vector_load %arg13[%swap3A_70, %swap3A_71] {strides = array<i32>} : memref<16x128xf32, #tpu.memory_space<vmem>>, vector<16xf32>,
      tpu.vector_store %arg13[%swap3A_70, %swap3A_71], %broadcast_in_dim3A_12 {strides = array<i32>} : memref<16x128xf32, #tpu.memory_space<vmem>>, vector<16xf32>,
      %swap3A_73 = arith.index_cast %scan3A_61 : i32 to index
      %swap3A_74 = arith.constant 64 : index
      %swap3A_75 = tpu.vector_load %arg13[%swap3A_73, %swap3A_74] {strides = array<i32>} : memref<16x128xf32, #tpu.memory_space<vmem>>, vector<16xf32>,
      tpu.vector_store %arg13[%swap3A_73, %swap3A_74], %broadcast_in_dim3A_12 {strides = array<i32>} : memref<16x128xf32, #tpu.memory_space<vmem>>, vector<16xf32>,
      %swap3A_76 = arith.index_cast %scan3A_61 : i32 to index
      %swap3A_77 = arith.constant 80 : index
      %swap3A_78 = tpu.vector_load %arg13[%swap3A_76, %swap3A_77] {strides = array<i32>} : memref<16x128xf32, #tpu.memory_space<vmem>>, vector<16xf32>,
      tpu.vector_store %arg13[%swap3A_76, %swap3A_77], %broadcast_in_dim3A_12 {strides = array<i32>} : memref<16x128xf32, #tpu.memory_space<vmem>>, vector<16xf32>,
      %swap3A_79 = arith.index_cast %scan3A_61 : i32 to index
      %swap3A_80 = arith.constant 96 : index
      %swap3A_81 = tpu.vector_load %arg13[%swap3A_79, %swap3A_80] {strides = array<i32>} : memref<16x128xf32, #tpu.memory_space<vmem>>, vector<16xf32>,
      tpu.vector_store %arg13[%swap3A_79, %swap3A_80], %broadcast_in_dim3A_12 {strides = array<i32>} : memref<16x128xf32, #tpu.memory_space<vmem>>, vector<16xf32>,
      %swap3A_82 = arith.index_cast %scan3A_61 : i32 to index
      %swap3A_83 = arith.constant 112 : index
      %swap3A_84 = tpu.vector_load %arg13[%swap3A_82, %swap3A_83] {strides = array<i32>} : memref<16x128xf32, #tpu.memory_space<vmem>>, vector<16xf32>,
      tpu.vector_store %arg13[%swap3A_82, %swap3A_83], %broadcast_in_dim3A_12 {strides = array<i32>} : memref<16x128xf32, #tpu.memory_space<vmem>>, vector<16xf32>,
    }
    %scan3A_17 = arith.constant 16 : i32
    %scan3A_18 = arith.constant 0 : i32
    %scan3A_19 = arith.constant 0 : i32
    %scan3A_20 = arith.constant 16 : i32
    %scan3A_21 = arith.addi %scan3A_19, %scan3A_20 : i32
    %scan3A_22 = arith.constant 1 : i32
    scf.for %scan3A_61 = %scan3A_19 to %scan3A_21 step %scan3A_22  : i32 {
      %mul3A_62 = arith.constant 16 : i32
      %mul3A_63 = arith.muli %scan3A_61, %mul3A_62 : i32
      %swap3A = arith.index_cast %mul3A_63 : i32 to index
      %swap3A_64 = tpu.vector_load %arg14[%swap3A] {strides = array<i32>} : memref<256xf32, #tpu.memory_space<vmem>>, vector<16xf32>,
      tpu.vector_store %arg14[%swap3A], %broadcast_in_dim3A_12 {strides = array<i32>} : memref<256xf32, #tpu.memory_space<vmem>>, vector<16xf32>,
      %mul3A_65 = arith.constant 16 : i32
      %mul3A_66 = arith.muli %scan3A_61, %mul3A_65 : i32
      %swap3A_67 = arith.index_cast %mul3A_66 : i32 to index
      %swap3A_68 = tpu.vector_load %arg15[%swap3A_67] {strides = array<i32>} : memref<256xf32, #tpu.memory_space<vmem>>, vector<16xf32>,
      tpu.vector_store %arg15[%swap3A_67], %broadcast_in_dim3A_12 {strides = array<i32>} : memref<256xf32, #tpu.memory_space<vmem>>, vector<16xf32>,
      %mul3A_69 = arith.constant 16 : i32
      %mul3A_70 = arith.muli %scan3A_61, %mul3A_69 : i32
      %swap3A_71 = arith.index_cast %mul3A_70 : i32 to index
      %swap3A_72 = tpu.vector_load %arg16[%swap3A_71] {strides = array<i32>} : memref<256xf32, #tpu.memory_space<vmem>>, vector<16xf32>,
      tpu.vector_store %arg16[%swap3A_71], %broadcast_in_dim3A_12 {strides = array<i32>} : memref<256xf32, #tpu.memory_space<vmem>>, vector<16xf32>,
    }
    %scan3A_23 = arith.constant 16 : i32
    %dma_wait3A = tpu.memref_slice %arg2[%mul3A_2] : memref<32768xi32, #tpu.memory_space<hbm>> -> memref<1024xi32, #tpu.memory_space<hbm>>
    %dma_wait3A_24 = tpu.memref_slice %arg2[%mul3A_2] : memref<32768xi32, #tpu.memory_space<hbm>> -> memref<1024xi32, #tpu.memory_space<hbm>>
    tpu.wait_dma2 semaphore(%arg17 : memref<!tpu.dma_semaphore, #tpu.memory_space<semaphore_mem>>) src(%dma_wait3A_24 : memref<1024xi32, #tpu.memory_space<hbm>>) dst(%arg8 : memref<1024xi32, #tpu.memory_space<vmem>>)
    %dma_wait3A_25 = tpu.memref_slice %arg3[%mul3A_2] : memref<32768xi32, #tpu.memory_space<hbm>> -> memref<1024xi32, #tpu.memory_space<hbm>>
    %dma_wait3A_26 = tpu.memref_slice %arg3[%mul3A_2] : memref<32768xi32, #tpu.memory_space<hbm>> -> memref<1024xi32, #tpu.memory_space<hbm>>
    tpu.wait_dma2 semaphore(%arg17 : memref<!tpu.dma_semaphore, #tpu.memory_space<semaphore_mem>>) src(%dma_wait3A_26 : memref<1024xi32, #tpu.memory_space<hbm>>) dst(%arg9 : memref<1024xi32, #tpu.memory_space<vmem>>)
    %dma_wait3A_27 = tpu.memref_slice %arg4[%mul3A_2] : memref<32768xf32, #tpu.memory_space<hbm>> -> memref<1024xf32, #tpu.memory_space<hbm>>
    %dma_wait3A_28 = tpu.memref_slice %arg4[%mul3A_2] : memref<32768xf32, #tpu.memory_space<hbm>> -> memref<1024xf32, #tpu.memory_space<hbm>>
    tpu.wait_dma2 semaphore(%arg17 : memref<!tpu.dma_semaphore, #tpu.memory_space<semaphore_mem>>) src(%dma_wait3A_28 : memref<1024xf32, #tpu.memory_space<hbm>>) dst(%arg10 : memref<1024xf32, #tpu.memory_space<vmem>>)
    %dma_wait3A_29 = tpu.memref_slice %arg5[%mul3A_2] : memref<32768xf32, #tpu.memory_space<hbm>> -> memref<1024xf32, #tpu.memory_space<hbm>>
    %dma_wait3A_30 = tpu.memref_slice %arg5[%mul3A_2] : memref<32768xf32, #tpu.memory_space<hbm>> -> memref<1024xf32, #tpu.memory_space<hbm>>
    tpu.wait_dma2 semaphore(%arg17 : memref<!tpu.dma_semaphore, #tpu.memory_space<semaphore_mem>>) src(%dma_wait3A_30 : memref<1024xf32, #tpu.memory_space<hbm>>) dst(%arg11 : memref<1024xf32, #tpu.memory_space<vmem>>)
    %dma_wait3A_31 = tpu.memref_slice %arg6[%mul3A_2] : memref<32768xf32, #tpu.memory_space<hbm>> -> memref<1024xf32, #tpu.memory_space<hbm>>
    %dma_wait3A_32 = tpu.memref_slice %arg6[%mul3A_2] : memref<32768xf32, #tpu.memory_space<hbm>> -> memref<1024xf32, #tpu.memory_space<hbm>>
    tpu.wait_dma2 semaphore(%arg17 : memref<!tpu.dma_semaphore, #tpu.memory_space<semaphore_mem>>) src(%dma_wait3A_32 : memref<1024xf32, #tpu.memory_space<hbm>>) dst(%arg12 : memref<1024xf32, #tpu.memory_space<vmem>>)
    %broadcast_in_dim3A_33 = arith.constant 1.000000e+00 : f32
    %broadcast_in_dim3A_34 = vector.broadcast %broadcast_in_dim3A_33 : f32 to vector<16xf32>
    %iota3A = tpu.iota {dimensions = array<i32: 0>} : vector<16xi32>
    %mul3A_35 = arith.constant 16 : i32
    %mul3A_36 = vector.broadcast %mul3A_35 : i32 to vector<16xi32>
    %mul3A_37 = arith.muli %iota3A, %mul3A_36 : vector<16xi32>
    %scan3A_38 = arith.constant 0 : i32
    %scan3A_39 = arith.constant 0 : i32
    %scan3A_40 = arith.constant 32 : i32
    %scan3A_41 = arith.addi %scan3A_39, %scan3A_40 : i32
    %scan3A_42 = arith.constant 1 : i32
    scf.for %scan3A_61 = %scan3A_39 to %scan3A_41 step %scan3A_42  : i32 {
      %mul3A_62 = arith.constant 2 : i32
      %mul3A_63 = arith.muli %scan3A_61, %mul3A_62 : i32
      %mul3A_64 = arith.constant 16 : i32
      %mul3A_65 = arith.muli %mul3A_63, %mul3A_64 : i32
      %get3A = arith.index_cast %mul3A_65 : i32 to index
      %get3A_66 = tpu.vector_load %arg8[%get3A] {strides = array<i32>} : memref<1024xi32, #tpu.memory_space<vmem>>, vector<16xi32>,
      %get3A_67 = arith.index_cast %mul3A_65 : i32 to index
      %get3A_68 = tpu.vector_load %arg9[%get3A_67] {strides = array<i32>} : memref<1024xi32, #tpu.memory_space<vmem>>, vector<16xi32>,
      %get3A_69 = arith.index_cast %mul3A_65 : i32 to index
      %get3A_70 = tpu.vector_load %arg10[%get3A_69] {strides = array<i32>} : memref<1024xf32, #tpu.memory_space<vmem>>, vector<16xf32>,
      %get3A_71 = arith.index_cast %mul3A_65 : i32 to index
      %get3A_72 = tpu.vector_load %arg11[%get3A_71] {strides = array<i32>} : memref<1024xf32, #tpu.memory_space<vmem>>, vector<16xf32>,
      %get3A_73 = arith.index_cast %mul3A_65 : i32 to index
      %get3A_74 = tpu.vector_load %arg12[%get3A_73] {strides = array<i32>} : memref<1024xf32, #tpu.memory_space<vmem>>, vector<16xf32>,
      tpu.vector_store_idx %arg13[%get3A_68, %get3A_66], %broadcast_in_dim3A_34 {add = true} : memref<16x128xf32, #tpu.memory_space<vmem>>[vector<16xi32>, vector<16xi32>], vector<16xf32>,
      %add3A_75 = arith.addi %mul3A_37, %get3A_68 : vector<16xi32>
      tpu.vector_store_idx %arg14[%add3A_75], %get3A_70 {add = true} : memref<256xf32, #tpu.memory_space<vmem>>[vector<16xi32>], vector<16xf32>,
      tpu.vector_store_idx %arg15[%add3A_75], %get3A_72 {add = true} : memref<256xf32, #tpu.memory_space<vmem>>[vector<16xi32>], vector<16xf32>,
      tpu.vector_store_idx %arg16[%add3A_75], %get3A_74 {add = true} : memref<256xf32, #tpu.memory_space<vmem>>[vector<16xi32>], vector<16xf32>,
      %mul3A_76 = arith.constant 2 : i32
      %mul3A_77 = arith.muli %scan3A_61, %mul3A_76 : i32
      %add3A_78 = arith.constant 1 : i32
      %add3A_79 = arith.addi %mul3A_77, %add3A_78 : i32
      %mul3A_80 = arith.constant 16 : i32
      %mul3A_81 = arith.muli %add3A_79, %mul3A_80 : i32
      %get3A_82 = arith.index_cast %mul3A_81 : i32 to index
      %get3A_83 = tpu.vector_load %arg8[%get3A_82] {strides = array<i32>} : memref<1024xi32, #tpu.memory_space<vmem>>, vector<16xi32>,
      %get3A_84 = arith.index_cast %mul3A_81 : i32 to index
      %get3A_85 = tpu.vector_load %arg9[%get3A_84] {strides = array<i32>} : memref<1024xi32, #tpu.memory_space<vmem>>, vector<16xi32>,
      %get3A_86 = arith.index_cast %mul3A_81 : i32 to index
      %get3A_87 = tpu.vector_load %arg10[%get3A_86] {strides = array<i32>} : memref<1024xf32, #tpu.memory_space<vmem>>, vector<16xf32>,
      %get3A_88 = arith.index_cast %mul3A_81 : i32 to index
      %get3A_89 = tpu.vector_load %arg11[%get3A_88] {strides = array<i32>} : memref<1024xf32, #tpu.memory_space<vmem>>, vector<16xf32>,
      %get3A_90 = arith.index_cast %mul3A_81 : i32 to index
      %get3A_91 = tpu.vector_load %arg12[%get3A_90] {strides = array<i32>} : memref<1024xf32, #tpu.memory_space<vmem>>, vector<16xf32>,
      tpu.vector_store_idx %arg13[%get3A_85, %get3A_83], %broadcast_in_dim3A_34 {add = true} : memref<16x128xf32, #tpu.memory_space<vmem>>[vector<16xi32>, vector<16xi32>], vector<16xf32>,
      %add3A_92 = arith.addi %mul3A_37, %get3A_85 : vector<16xi32>
      tpu.vector_store_idx %arg14[%add3A_92], %get3A_87 {add = true} : memref<256xf32, #tpu.memory_space<vmem>>[vector<16xi32>], vector<16xf32>,
      tpu.vector_store_idx %arg15[%add3A_92], %get3A_89 {add = true} : memref<256xf32, #tpu.memory_space<vmem>>[vector<16xi32>], vector<16xf32>,
      tpu.vector_store_idx %arg16[%add3A_92], %get3A_91 {add = true} : memref<256xf32, #tpu.memory_space<vmem>>[vector<16xi32>], vector<16xf32>,
    }
    %scan3A_43 = arith.constant 32 : i32
    %scan3A_44 = arith.constant 0 : i32
    %scan3A_45 = arith.constant 16 : i32
    %scan3A_46 = arith.addi %scan3A_44, %scan3A_45 : i32
    %scan3A_47 = arith.constant 1 : i32
    %scan3A_48:3 = scf.for %scan3A_61 = %scan3A_44 to %scan3A_46 step %scan3A_47 iter_args(%scan3A_62 = %broadcast_in_dim3A_12, %scan3A_63 = %broadcast_in_dim3A_12, %scan3A_64 = %broadcast_in_dim3A_12) -> (vector<16xf32>, vector<16xf32>, vector<16xf32>)  : i32 {
      %mul3A_65 = arith.constant 16 : i32
      %mul3A_66 = arith.muli %scan3A_61, %mul3A_65 : i32
      %get3A = arith.index_cast %mul3A_66 : i32 to index
      %get3A_67 = tpu.vector_load %arg14[%get3A] {strides = array<i32>} : memref<256xf32, #tpu.memory_space<vmem>>, vector<16xf32>,
      %add3A_68 = arith.addf %scan3A_62, %get3A_67 : vector<16xf32>
      %get3A_69 = arith.index_cast %mul3A_66 : i32 to index
      %get3A_70 = tpu.vector_load %arg15[%get3A_69] {strides = array<i32>} : memref<256xf32, #tpu.memory_space<vmem>>, vector<16xf32>,
      %add3A_71 = arith.addf %scan3A_63, %get3A_70 : vector<16xf32>
      %get3A_72 = arith.index_cast %mul3A_66 : i32 to index
      %get3A_73 = tpu.vector_load %arg16[%get3A_72] {strides = array<i32>} : memref<256xf32, #tpu.memory_space<vmem>>, vector<16xf32>,
      %add3A_74 = arith.addf %scan3A_64, %get3A_73 : vector<16xf32>
      scf.yield %add3A_68, %add3A_71, %add3A_74 : vector<16xf32>, vector<16xf32>, vector<16xf32>
    }
    %scan3A_49 = arith.constant 16 : i32
    %broadcast_in_dim3A_50 = arith.constant 0 : i32
    %broadcast_in_dim3A_51 = vector.broadcast %broadcast_in_dim3A_50 : i32 to vector<16xi32>
    %add3A_52 = arith.constant 100 : i32
    %add3A_53 = vector.broadcast %add3A_52 : i32 to vector<16xi32>
    %add3A_54 = arith.addi %broadcast_in_dim3A_51, %add3A_53 : vector<16xi32>
    tpu.vector_store_idx %arg13[%iota3A, %add3A_54], %scan3A_48#0 : memref<16x128xf32, #tpu.memory_space<vmem>>[vector<16xi32>, vector<16xi32>], vector<16xf32>,
    %add3A_55 = arith.constant 101 : i32
    %add3A_56 = vector.broadcast %add3A_55 : i32 to vector<16xi32>
    %add3A_57 = arith.addi %broadcast_in_dim3A_51, %add3A_56 : vector<16xi32>
    tpu.vector_store_idx %arg13[%iota3A, %add3A_57], %scan3A_48#1 : memref<16x128xf32, #tpu.memory_space<vmem>>[vector<16xi32>, vector<16xi32>], vector<16xf32>,
    %add3A_58 = arith.constant 102 : i32
    %add3A_59 = vector.broadcast %add3A_58 : i32 to vector<16xi32>
    %add3A_60 = arith.addi %broadcast_in_dim3A_51, %add3A_59 : vector<16xi32>
    tpu.vector_store_idx %arg13[%iota3A, %add3A_60], %scan3A_48#2 : memref<16x128xf32, #tpu.memory_space<vmem>>[vector<16xi32>, vector<16xi32>], vector<16xf32>,
    "tpu.region"() ({
      %run_scoped3A = tpu.sem_alloc : memref<!tpu.dma_semaphore, #tpu.memory_space<semaphore_mem>>
      %dma_start3A_61 = arith.constant 0 : i32
      %dma_start3A_62 = arith.constant 0 : i32
      %dma_start3A_63 = tpu.memref_slice %arg7[%add3A, %dma_start3A_61, %dma_start3A_62] : memref<32x16x128xf32, #tpu.memory_space<hbm>> -> memref<1x16x128xf32, #tpu.memory_space<hbm>>
      %dma_start3A_64 = tpu.memref_squeeze %dma_start3A_63 : memref<1x16x128xf32, #tpu.memory_space<hbm>> -> memref<16x128xf32, #tpu.memory_space<hbm>>
      %dma_start3A_65 = arith.constant 0 : i32
      %dma_start3A_66 = arith.constant 0 : i32
      %dma_start3A_67 = tpu.memref_slice %arg7[%add3A, %dma_start3A_65, %dma_start3A_66] : memref<32x16x128xf32, #tpu.memory_space<hbm>> -> memref<1x16x128xf32, #tpu.memory_space<hbm>>
      %dma_start3A_68 = tpu.memref_squeeze %dma_start3A_67 : memref<1x16x128xf32, #tpu.memory_space<hbm>> -> memref<16x128xf32, #tpu.memory_space<hbm>>
      tpu.enqueue_dma source(%arg13 : memref<16x128xf32, #tpu.memory_space<vmem>>) target(%dma_start3A_68 : memref<16x128xf32, #tpu.memory_space<hbm>>) target_semaphore(%run_scoped3A : memref<!tpu.dma_semaphore, #tpu.memory_space<semaphore_mem>>)
      %dma_wait3A_69 = arith.constant 0 : i32
      %dma_wait3A_70 = arith.constant 0 : i32
      %dma_wait3A_71 = tpu.memref_slice %arg7[%add3A, %dma_wait3A_69, %dma_wait3A_70] : memref<32x16x128xf32, #tpu.memory_space<hbm>> -> memref<1x16x128xf32, #tpu.memory_space<hbm>>
      %dma_wait3A_72 = tpu.memref_squeeze %dma_wait3A_71 : memref<1x16x128xf32, #tpu.memory_space<hbm>> -> memref<16x128xf32, #tpu.memory_space<hbm>>
      %dma_wait3A_73 = arith.constant 0 : i32
      %dma_wait3A_74 = arith.constant 0 : i32
      %dma_wait3A_75 = tpu.memref_slice %arg7[%add3A, %dma_wait3A_73, %dma_wait3A_74] : memref<32x16x128xf32, #tpu.memory_space<hbm>> -> memref<1x16x128xf32, #tpu.memory_space<hbm>>
      %dma_wait3A_76 = tpu.memref_squeeze %dma_wait3A_75 : memref<1x16x128xf32, #tpu.memory_space<hbm>> -> memref<16x128xf32, #tpu.memory_space<hbm>>
      tpu.wait_dma2 semaphore(%run_scoped3A : memref<!tpu.dma_semaphore, #tpu.memory_space<semaphore_mem>>) src(%arg13 : memref<16x128xf32, #tpu.memory_space<vmem>>) dst(%dma_wait3A_76 : memref<16x128xf32, #tpu.memory_space<hbm>>)
      tpu.yield
    }) : () -> ()
    return
  }
}

module attributes {stable_mosaic.version = 14 : i64} {
  func.func @_tc_mlp_body(%arg0: memref<32x16x128xf32, #tpu.memory_space<vmem>>, %arg1: memref<100x256xf32, #tpu.memory_space<vmem>>, %arg2: memref<3x256xf32, #tpu.memory_space<vmem>>, %arg3: memref<256x256xf32, #tpu.memory_space<vmem>>, %arg4: memref<1x256xf32, #tpu.memory_space<vmem>>, %arg5: memref<256x1xf32, #tpu.memory_space<vmem>>, %arg6: memref<1x1xf32, #tpu.memory_space<vmem>>, %arg7: memref<16x1xf32, #tpu.memory_space<vmem>>, %arg8: memref<128x256xf32, #tpu.memory_space<vmem>>) attributes {dimension_semantics = [], scalar_prefetch = 0 : i64, scratch_operands = 1 : i64, tpu.core_type = #tpu.core_type<tc>} {
    %get3A = arith.constant 0 : index
    %get3A_0 = arith.constant 0 : index
    %get3A_1 = vector.load %arg1[%get3A, %get3A_0] : memref<100x256xf32, #tpu.memory_space<vmem>>, vector<100x256xf32>
    %swap3A = arith.constant 0 : index
    %swap3A_2 = arith.constant 0 : index
    %swap3A_3 = vector.load %arg8[%swap3A, %swap3A_2] : memref<128x256xf32, #tpu.memory_space<vmem>>, vector<100x256xf32>
    tpu.vector_store %arg8[%swap3A, %swap3A_2], %get3A_1 {strides = array<i32>} : memref<128x256xf32, #tpu.memory_space<vmem>>, vector<100x256xf32>,
    %get3A_4 = arith.constant 0 : index
    %get3A_5 = arith.constant 0 : index
    %get3A_6 = vector.load %arg2[%get3A_4, %get3A_5] : memref<3x256xf32, #tpu.memory_space<vmem>>, vector<3x256xf32>
    %bitcast_convert_type3A = tpu.bitcast %get3A_6 : vector<3x256xf32> -> vector<3x256xi32>
    %add3A = arith.constant 32767 : i32
    %add3A_7 = vector.broadcast %add3A : i32 to vector<3x256xi32>
    %add3A_8 = arith.addi %bitcast_convert_type3A, %add3A_7 : vector<3x256xi32>
    %shift_right_logical3A = arith.constant 16 : i32
    %shift_right_logical3A_9 = vector.broadcast %shift_right_logical3A : i32 to vector<3x256xi32>
    %shift_right_logical3A_10 = arith.shrui %bitcast_convert_type3A, %shift_right_logical3A_9 : vector<3x256xi32>
    %and3A = arith.constant 1 : i32
    %and3A_11 = vector.broadcast %and3A : i32 to vector<3x256xi32>
    %and3A_12 = arith.andi %shift_right_logical3A_10, %and3A_11 : vector<3x256xi32>
    %add3A_13 = arith.addi %add3A_8, %and3A_12 : vector<3x256xi32>
    %and3A_14 = arith.constant -65536 : i32
    %and3A_15 = vector.broadcast %and3A_14 : i32 to vector<3x256xi32>
    %and3A_16 = arith.andi %add3A_13, %and3A_15 : vector<3x256xi32>
    %bitcast_convert_type3A_17 = tpu.bitcast %and3A_16 : vector<3x256xi32> -> vector<3x256xf32>
    %swap3A_18 = arith.constant 100 : index
    %swap3A_19 = arith.constant 0 : index
    %swap3A_20 = vector.load %arg8[%swap3A_18, %swap3A_19] : memref<128x256xf32, #tpu.memory_space<vmem>>, vector<3x256xf32>
    tpu.vector_store %arg8[%swap3A_18, %swap3A_19], %bitcast_convert_type3A_17 {strides = array<i32>} : memref<128x256xf32, #tpu.memory_space<vmem>>, vector<3x256xf32>,
    %broadcast_in_dim3A = arith.constant 0.000000e+00 : f32
    %broadcast_in_dim3A_21 = vector.broadcast %broadcast_in_dim3A : f32 to vector<25x256xf32>
    %swap3A_22 = arith.constant 103 : index
    %swap3A_23 = arith.constant 0 : index
    %swap3A_24 = vector.load %arg8[%swap3A_22, %swap3A_23] : memref<128x256xf32, #tpu.memory_space<vmem>>, vector<25x256xf32>
    tpu.vector_store %arg8[%swap3A_22, %swap3A_23], %broadcast_in_dim3A_21 {strides = array<i32>} : memref<128x256xf32, #tpu.memory_space<vmem>>, vector<25x256xf32>,
    %get3A_25 = arith.constant 0 : index
    %get3A_26 = arith.constant 0 : index
    %get3A_27 = arith.constant 0 : index
    %get3A_28 = vector.load %arg0[%get3A_25, %get3A_26, %get3A_27] : memref<32x16x128xf32, #tpu.memory_space<vmem>>, vector<32x16x128xf32>
    %reduce_sum3A = arith.constant dense<0.000000e+00> : vector<16x128xf32>
    %reduce_sum3A_29 = vector.multi_reduction <add>, %get3A_28, %reduce_sum3A [0] : vector<32x16x128xf32> to vector<16x128xf32>
    %get3A_30 = arith.constant 0 : index
    %get3A_31 = arith.constant 0 : index
    %get3A_32 = vector.load %arg8[%get3A_30, %get3A_31] : memref<128x256xf32, #tpu.memory_space<vmem>>, vector<128x256xf32>
    %dot_general3A = arith.constant dense<0.000000e+00> : vector<16x256xf32>
    %dot_general3A_33 = tpu.matmul %reduce_sum3A_29, %get3A_32, %dot_general3A {dimension_numbers = #tpu.dot_dimension_numbers<[1], [0], [0], [1], [0, 0, 1, 1], [], []>, precision = #tpu.contract_precision<fp32>, transpose_lhs_hint = false} : vector<16x128xf32>, vector<128x256xf32>, vector<16x256xf32> -> vector<16x256xf32>
    %get3A_34 = arith.constant 0 : index
    %get3A_35 = arith.constant 0 : index
    %get3A_36 = vector.load %arg3[%get3A_34, %get3A_35] : memref<256x256xf32, #tpu.memory_space<vmem>>, vector<256x256xf32>
    %dot_general3A_37 = arith.constant dense<0.000000e+00> : vector<16x256xf32>
    %dot_general3A_38 = tpu.matmul %dot_general3A_33, %get3A_36, %dot_general3A_37 {dimension_numbers = #tpu.dot_dimension_numbers<[1], [0], [0], [1], [0, 0, 1, 1], [], []>, transpose_lhs_hint = false} : vector<16x256xf32>, vector<256x256xf32>, vector<16x256xf32> -> vector<16x256xf32>
    %get3A_39 = arith.constant 0 : index
    %get3A_40 = arith.constant 0 : index
    %get3A_41 = vector.load %arg4[%get3A_39, %get3A_40] : memref<1x256xf32, #tpu.memory_space<vmem>>, vector<1x256xf32>
    %add3A_42 = vector.broadcast %get3A_41 : vector<1x256xf32> to vector<16x256xf32>
    %add3A_43 = arith.addf %dot_general3A_38, %add3A_42 : vector<16x256xf32>
    %mul3A = arith.constant 5.000000e-01 : f32
    %mul3A_44 = vector.broadcast %mul3A : f32 to vector<16x256xf32>
    %mul3A_45 = arith.mulf %add3A_43, %mul3A_44 : vector<16x256xf32>
    %mul3A_46 = arith.constant 0.707106769 : f32
    %mul3A_47 = vector.broadcast %mul3A_46 : f32 to vector<16x256xf32>
    %mul3A_48 = arith.mulf %add3A_43, %mul3A_47 : vector<16x256xf32>
    %sign3A = tpu.bitcast %mul3A_48 : vector<16x256xf32> -> vector<16x256xi32>
    %sign3A_49 = arith.constant -2147483648 : i32
    %sign3A_50 = vector.broadcast %sign3A_49 : i32 to vector<16x256xi32>
    %sign3A_51 = arith.andi %sign3A, %sign3A_50 : vector<16x256xi32>
    %sign3A_52 = arith.constant 1065353216 : i32
    %sign3A_53 = vector.broadcast %sign3A_52 : i32 to vector<16x256xi32>
    %sign3A_54 = arith.ori %sign3A_53, %sign3A_51 : vector<16x256xi32>
    %sign3A_55 = tpu.bitcast %sign3A_54 : vector<16x256xi32> -> vector<16x256xf32>
    %sign3A_56 = math.absf %mul3A_48 : vector<16x256xf32>
    %sign3A_57 = arith.constant 0.000000e+00 : f32
    %sign3A_58 = vector.broadcast %sign3A_57 : f32 to vector<16x256xf32>
    %sign3A_59 = arith.cmpf ogt, %sign3A_56, %sign3A_58 : vector<16x256xf32>
    %sign3A_60 = arith.select %sign3A_59, %sign3A_55, %mul3A_48 : vector<16x256xi1>, vector<16x256xf32>
    %abs3A = math.absf %mul3A_48 : vector<16x256xf32>
    %mul3A_61 = arith.constant 0.327591091 : f32
    %mul3A_62 = vector.broadcast %mul3A_61 : f32 to vector<16x256xf32>
    %mul3A_63 = arith.mulf %mul3A_62, %abs3A : vector<16x256xf32>
    %add3A_64 = arith.constant 1.000000e+00 : f32
    %add3A_65 = vector.broadcast %add3A_64 : f32 to vector<16x256xf32>
    %add3A_66 = arith.addf %add3A_65, %mul3A_63 : vector<16x256xf32>
    %div3A = arith.constant 1.000000e+00 : f32
    %div3A_67 = vector.broadcast %div3A : f32 to vector<16x256xf32>
    %div3A_68 = arith.divf %div3A_67, %add3A_66 : vector<16x256xf32>
    %mul3A_69 = arith.constant 1.06140542 : f32
    %mul3A_70 = vector.broadcast %mul3A_69 : f32 to vector<16x256xf32>
    %mul3A_71 = arith.mulf %div3A_68, %mul3A_70 : vector<16x256xf32>
    %add3A_72 = arith.constant -1.45315206 : f32
    %add3A_73 = vector.broadcast %add3A_72 : f32 to vector<16x256xf32>
    %add3A_74 = arith.addf %add3A_73, %mul3A_71 : vector<16x256xf32>
    %mul3A_75 = arith.mulf %div3A_68, %add3A_74 : vector<16x256xf32>
    %add3A_76 = arith.constant 1.42141378 : f32
    %add3A_77 = vector.broadcast %add3A_76 : f32 to vector<16x256xf32>
    %add3A_78 = arith.addf %add3A_77, %mul3A_75 : vector<16x256xf32>
    %mul3A_79 = arith.mulf %div3A_68, %add3A_78 : vector<16x256xf32>
    %add3A_80 = arith.constant -0.284496725 : f32
    %add3A_81 = vector.broadcast %add3A_80 : f32 to vector<16x256xf32>
    %add3A_82 = arith.addf %add3A_81, %mul3A_79 : vector<16x256xf32>
    %mul3A_83 = arith.mulf %div3A_68, %add3A_82 : vector<16x256xf32>
    %add3A_84 = arith.constant 0.254829586 : f32
    %add3A_85 = vector.broadcast %add3A_84 : f32 to vector<16x256xf32>
    %add3A_86 = arith.addf %add3A_85, %mul3A_83 : vector<16x256xf32>
    %mul3A_87 = arith.mulf %div3A_68, %add3A_86 : vector<16x256xf32>
    %neg3A = arith.constant 0.000000e+00 : f32
    %neg3A_88 = vector.broadcast %neg3A : f32 to vector<16x256xf32>
    %neg3A_89 = arith.subf %neg3A_88, %abs3A : vector<16x256xf32>
    %mul3A_90 = arith.mulf %neg3A_89, %abs3A : vector<16x256xf32>
    %exp3A = math.exp %mul3A_90 : vector<16x256xf32>
    %mul3A_91 = arith.mulf %mul3A_87, %exp3A : vector<16x256xf32>
    %sub3A = arith.constant 1.000000e+00 : f32
    %sub3A_92 = vector.broadcast %sub3A : f32 to vector<16x256xf32>
    %sub3A_93 = arith.subf %sub3A_92, %mul3A_91 : vector<16x256xf32>
    %mul3A_94 = arith.mulf %sign3A_60, %sub3A_93 : vector<16x256xf32>
    %add3A_95 = arith.constant 1.000000e+00 : f32
    %add3A_96 = vector.broadcast %add3A_95 : f32 to vector<16x256xf32>
    %add3A_97 = arith.addf %add3A_96, %mul3A_94 : vector<16x256xf32>
    %mul3A_98 = arith.mulf %mul3A_45, %add3A_97 : vector<16x256xf32>
    %bitcast_convert_type3A_99 = tpu.bitcast %mul3A_98 : vector<16x256xf32> -> vector<16x256xi32>
    %add3A_100 = arith.constant 32767 : i32
    %add3A_101 = vector.broadcast %add3A_100 : i32 to vector<16x256xi32>
    %add3A_102 = arith.addi %bitcast_convert_type3A_99, %add3A_101 : vector<16x256xi32>
    %shift_right_logical3A_103 = arith.constant 16 : i32
    %shift_right_logical3A_104 = vector.broadcast %shift_right_logical3A_103 : i32 to vector<16x256xi32>
    %shift_right_logical3A_105 = arith.shrui %bitcast_convert_type3A_99, %shift_right_logical3A_104 : vector<16x256xi32>
    %and3A_106 = arith.constant 1 : i32
    %and3A_107 = vector.broadcast %and3A_106 : i32 to vector<16x256xi32>
    %and3A_108 = arith.andi %shift_right_logical3A_105, %and3A_107 : vector<16x256xi32>
    %add3A_109 = arith.addi %add3A_102, %and3A_108 : vector<16x256xi32>
    %and3A_110 = arith.constant -65536 : i32
    %and3A_111 = vector.broadcast %and3A_110 : i32 to vector<16x256xi32>
    %and3A_112 = arith.andi %add3A_109, %and3A_111 : vector<16x256xi32>
    %bitcast_convert_type3A_113 = tpu.bitcast %and3A_112 : vector<16x256xi32> -> vector<16x256xf32>
    %get3A_114 = arith.constant 0 : index
    %get3A_115 = arith.constant 0 : index
    %get3A_116 = vector.load %arg5[%get3A_114, %get3A_115] : memref<256x1xf32, #tpu.memory_space<vmem>>, vector<256x1xf32>
    %bitcast_convert_type3A_117 = tpu.bitcast %get3A_116 : vector<256x1xf32> -> vector<256x1xi32>
    %add3A_118 = arith.constant 32767 : i32
    %add3A_119 = vector.broadcast %add3A_118 : i32 to vector<256x1xi32>
    %add3A_120 = arith.addi %bitcast_convert_type3A_117, %add3A_119 : vector<256x1xi32>
    %shift_right_logical3A_121 = arith.constant 16 : i32
    %shift_right_logical3A_122 = vector.broadcast %shift_right_logical3A_121 : i32 to vector<256x1xi32>
    %shift_right_logical3A_123 = arith.shrui %bitcast_convert_type3A_117, %shift_right_logical3A_122 : vector<256x1xi32>
    %and3A_124 = arith.constant 1 : i32
    %and3A_125 = vector.broadcast %and3A_124 : i32 to vector<256x1xi32>
    %and3A_126 = arith.andi %shift_right_logical3A_123, %and3A_125 : vector<256x1xi32>
    %add3A_127 = arith.addi %add3A_120, %and3A_126 : vector<256x1xi32>
    %and3A_128 = arith.constant -65536 : i32
    %and3A_129 = vector.broadcast %and3A_128 : i32 to vector<256x1xi32>
    %and3A_130 = arith.andi %add3A_127, %and3A_129 : vector<256x1xi32>
    %bitcast_convert_type3A_131 = tpu.bitcast %and3A_130 : vector<256x1xi32> -> vector<256x1xf32>
    %dot_general3A_132 = arith.constant dense<0.000000e+00> : vector<16x1xf32>
    %dot_general3A_133 = tpu.matmul %bitcast_convert_type3A_113, %bitcast_convert_type3A_131, %dot_general3A_132 {dimension_numbers = #tpu.dot_dimension_numbers<[1], [0], [0], [1], [0, 0, 1, 1], [], []>, precision = #tpu.contract_precision<fp32>, transpose_lhs_hint = false} : vector<16x256xf32>, vector<256x1xf32>, vector<16x1xf32> -> vector<16x1xf32>
    %get3A_134 = arith.constant 0 : index
    %get3A_135 = arith.constant 0 : index
    %get3A_136 = vector.load %arg6[%get3A_134, %get3A_135] : memref<1x1xf32, #tpu.memory_space<vmem>>, vector<1x1xf32>
    %add3A_137 = vector.broadcast %get3A_136 : vector<1x1xf32> to vector<16x1xf32>
    %add3A_138 = arith.addf %dot_general3A_133, %add3A_137 : vector<16x1xf32>
    %swap3A_139 = arith.constant 0 : index
    %swap3A_140 = arith.constant 0 : index
    %swap3A_141 = vector.load %arg7[%swap3A_139, %swap3A_140] : memref<16x1xf32, #tpu.memory_space<vmem>>, vector<16x1xf32>
    tpu.vector_store %arg7[%swap3A_139, %swap3A_140], %add3A_138 {strides = array<i32>} : memref<16x1xf32, #tpu.memory_space<vmem>>, vector<16x1xf32>,
    return
  }
}

</mosaic_0001>

<sc_bundles>
// kernel: kernel.4.cloned.1.call-start
scs
__scs_entry_jumppad:
0x0: {  	(pc) =	sbr.rel $0x88, $3  }
0x1: {  	(tag) =	ssettag $0x0;
	lr =	simm.s32 $0x1  }
0x2: {  	[smem:$0x3F98] =	sst lr;
	_ =	strace $0xD0000000  }
0x3: {  	_ = 	snop  }
0x4: {  	_ = 	snop  }
0x5: {  	_ = 	snop  }
0x6: {  	_ = 	snop  }
0x7: {  	_ = 	snop  }
__scs_overlays_trampoline_lowered:
0x8: {  	[smem:$0x3FA7] =	sst s0  }
0x9: {  	[smem:$0x3FA8] =	sst s1  }
0xa: {  	[smem:$0x3FA9] =	sst s2  }
0xb: {  	[smem:$0x3FAA] =	sst s3  }
0xc: {  	[smem:$0x3FAB] =	sst s4  }
0xd: {  	[smem:$0x3FAC] =	sst s5  }
0xe: {  	[smem:$0x3FAD] =	sst s6  }
0xf: {  	[smem:$0x3FAE] =	sst s7  }
0x10: {  	[smem:$0x3FAF] =	sst s8  }
0x11: {  	[smem:$0x3FB0] =	sst s9;
	s0 =	simm.s32 @!p0 $0x0  }
0x12: {  	s1 =	sld [smem:$0x3F96];
	s0 =	simm.s32 @p0 $0x1  }
0x13: {  	[smem:$0x3FB1] =	sst s0;
	s0 =	simm.s32 @!p1 $0x0  }
0x14: {  	s2 =	sld [smem:$0x3F95];
	s0 =	simm.s32 @p1 $0x1  }
0x15: {  	[smem:$0x3FB2] =	sst s0;
	s0 =	simm.s32 @!p2 $0x0  }
0x16: {  	s3 =	sld [smem:$0x3FDB];
	s0 =	simm.s32 @p2 $0x1  }
0x17: {  	s4 =	simm.s32 $0x1BF5;
	[smem:$0x3FB4] =	sst s0  }
0x18: {  	s0 =	sld [smem:$0x3F97];
	_ =	swait.ge [sflag:s4], $0x0  }
0x19: {  	s7 =	sld [smem:$0x3F98]  }
0x1a: {  	s8 =	sadd.s32 $0xFFFFE003, lr  }
0x1b: {  	s9 =	sadd.s32 $0xFFFFFEF7, lr;
	s5 =	simm.s32 $0xFFFFFFFF;
	p2 =	slt.u32 s8, $0xFFFFF086  }
0x1c: {  	p1 =	slt.u32 s9, $0xF7A;
	s5 =	simm.s32 @!p2 $0x0  }
0x1d: {  	s5 =	simm.s32 @p1 $0x1;
	p0 =	seq.s32 s7, s2  }
0x1e: {  	s7 =	smul.u32 @!p0 $0xF7A, s2;
	p2 =	seq.s32 @!p0 s5, $0x0  }
0x1f: {  	s9 =	smul.u32 $0xF7A, s1;
	s8 =	simm.s32 @!p0 $0x1BF5;
	p2 =	por !p2, p0  }
0x20: {  	[sflag:s8] =	ssyncset.s32 @!p0 $0xFFFFF086;
	s6 =	sadd.s32 @!p0 s3, s7;
	s7 =	simm.s32 @!p0 $0x108  }
0x21: {  	s3 =	sadd.s32 s3, s9;
	s6 =	sadd.s32 @!p0 $0x88, s6;
	s7 =	simm.s32 @p2 $0x1082  }
0x22: {  	[simem:s7], [sflag:s8] =	dma.local @!p0 [hbm:s6], $0xF7A  }
0x23: {  	s9 =	sor.u32 $0xD0000000, s2;
	s6 =	simm.s32 $0x108;
	_ =	swait.ge @!p0 [sflag:s8], $0x0  }
0x24: {  	s3 =	sadd.s32 $0x88, s3;
	s6 =	simm.s32 @!p1 $0x1082;
	[sflag:s4] =	ssyncset.s32 $0xFFFFF086  }
0x25: {  	[simem:s6], [sflag:s4] =	dma.local [hbm:s3], $0xF7A  }
0x26: {  	[smem:$0x3F98] =	sst s1;
	(tag) =	ssettag s2;
	_ =	strace s9  }
0x27: {  	s1 =	sld [smem:$0x3FA8]  }
0x28: {  	s2 =	sld [smem:$0x3FA9]  }
0x29: {  	s4 =	sld [smem:$0x3FAB]  }
0x2a: {  	p0 =	seq.s32 s5, $0x0;
	s5 =	sld [smem:$0x3FAC]  }
0x2b: {  	s6 =	sld [smem:$0x3FAD]  }
0x2c: {  	s7 =	sld [smem:$0x3FAE]  }
0x2d: {  	s3 =	simm.s32 $0x108;
	s8 =	sld [smem:$0x3FAF]  }
0x2e: {  	s3 =	simm.s32 @!p0 $0x1082;
	s9 =	sld [smem:$0x3FB0]  }
0x2f: {  	lr =	sadd.s32 s0, s3;
	s0 =	sld [smem:$0x3FA7]  }
0x30: {  	s3 =	sld [smem:$0x3FAA]  }
0x31: {  	[smem:$0x3FB3] =	sst s10  }
0x32: {  	s10 =	sld [smem:$0x3FB1];
	_ =	sdelay $0x3  }
0x33: {  	p0 =	seq.s32 s10, $0x1;
	s10 =	sld [smem:$0x3FB3];
	_ =	sdelay $0x3  }
0x34: {  	[smem:$0x3FB3] =	sst s10  }
0x35: {  	s10 =	sld [smem:$0x3FB2];
	_ =	sdelay $0x3  }
0x36: {  	p1 =	seq.s32 s10, $0x1;
	s10 =	sld [smem:$0x3FB3];
	_ =	sdelay $0x3  }
0x37: {  	[smem:$0x3FB3] =	sst s10  }
0x38: {  	s10 =	sld [smem:$0x3FB4]  }
0x39: {  	_ = 	snop;
	(pc) =	sbr.ind lr, $3  }
0x3a: {  	_ = 	snop  }
0x3b: {  	_ = 	snop  }
0x3c: {  	p2 =	seq.s32 s10, $0x1;
	s10 =	sld [smem:$0x3FB3]  }
0x3d: {  	_ =	shalt  }
0x3e: {  	_ =	shalt  }
0x3f: {  	_ =	shalt  }
0x40: {  	_ =	shalt  }
0x41: {  	_ =	shalt  }
0x42: {  	_ =	shalt  }
0x43: {  	_ =	shalt  }
0x44: {  	_ =	shalt  }
0x45: {  	_ =	shalt  }
0x46: {  	_ =	shalt  }
0x47: {  	_ =	shalt  }
0x48: {  	_ =	shalt  }
0x49: {  	_ =	shalt  }
0x4a: {  	_ =	shalt  }
0x4b: {  	_ =	shalt  }
0x4c: {  	_ =	shalt  }
0x4d: {  	_ =	shalt  }
0x4e: {  	_ =	shalt  }
0x4f: {  	_ =	shalt  }
0x50: {  	_ =	shalt  }
0x51: {  	_ =	shalt  }
0x52: {  	_ =	shalt  }
0x53: {  	_ =	shalt  }
0x54: {  	_ =	shalt  }
0x55: {  	_ =	shalt  }
0x56: {  	_ =	shalt  }
0x57: {  	_ =	shalt  }
0x58: {  	_ =	shalt  }
0x59: {  	_ =	shalt  }
0x5a: {  	_ =	shalt  }
0x5b: {  	_ =	shalt  }
0x5c: {  	_ =	shalt  }
0x5d: {  	_ =	shalt  }
0x5e: {  	_ =	shalt  }
0x5f: {  	_ =	shalt  }
0x60: {  	_ =	shalt  }
0x61: {  	_ =	shalt  }
0x62: {  	_ =	shalt  }
0x63: {  	_ =	shalt  }
0x64: {  	_ =	shalt  }
0x65: {  	_ =	shalt  }
0x66: {  	_ =	shalt  }
0x67: {  	_ =	shalt  }
0x68: {  	_ =	shalt  }
0x69: {  	_ =	shalt  }
0x6a: {  	_ =	shalt  }
0x6b: {  	_ =	shalt  }
0x6c: {  	_ =	shalt  }
0x6d: {  	_ =	shalt  }
0x6e: {  	_ =	shalt  }
0x6f: {  	_ =	shalt  }
0x70: {  	_ =	shalt  }
0x71: {  	_ =	shalt  }
0x72: {  	_ =	shalt  }
0x73: {  	_ =	shalt  }
0x74: {  	_ =	shalt  }
0x75: {  	_ =	shalt  }
0x76: {  	_ =	shalt  }
0x77: {  	_ =	shalt  }
0x78: {  	_ =	shalt  }
0x79: {  	_ =	shalt  }
0x7a: {  	_ =	shalt  }
0x7b: {  	_ =	shalt  }
0x7c: {  	_ =	shalt  }
0x7d: {  	_ =	shalt  }
0x7e: {  	_ =	shalt  }
0x7f: {  	_ =	shalt  }
0x80: {  	_ =	shalt  }
0x81: {  	_ =	shalt  }
0x82: {  	_ =	shalt  }
0x83: {  	_ =	shalt  }
0x84: {  	_ =	shalt  }
0x85: {  	_ =	shalt  }
0x86: {  	_ =	shalt  }
0x87: {  	_ =	shalt  }
.Lfunc_end0:
.L_simem_size_0:
called_computation_lowered:
.L_overlay_start_0:
0x88: {  	s2 =	sld [smem:$0x3FD9]  }
0x89: {  	s3 =	sld [smem:$0x3FFE];
	_ =	sdelay $0x1  }
0x8a: {  	s1 =	srdreg.scid  }
0x8b: {  	s0 =	sand.u32 $0x1, s1  }
0x8c: {  	s17 =	sshll.u32 s0, $0xA;
	s2 =	sadd.s32 s3, s2  }
0x8d: {  	s2 =	sadd.s32 s2, s17  }
0x8e: {  	[smem:$0x3FBF] =	sst s2  }
0x8f: {  	_ = 	snop  }
0x90: {  	s2 =	sld [smem:$0x3FC9]  }
0x91: {  	s18 =	sld [smem:$0x3FC7];
	(tm) =	ssettm $0x1  }
0x92: {  	s4 =	sld [smem:$0x3FFB];
	_ =	sdelay $0x3  }
0x93: {  	_ =	strace s4  }
0x94: {  	s4 =	sld [smem:$0x3FFC];
	_ =	sdelay $0x3  }
0x95: {  	_ =	strace s4  }
0x96: {  	s4 =	sld [smem:$0x3FFD];
	_ =	sdelay $0x3  }
0x97: {  	_ =	strace s4  }
0x98: {  	_ =	strace $0x8FFFFFFF  }
0x99: {  	s19 =	sld [smem:$0x3FDB];
	_ =	sdelay $0x1  }
0x9a: {  	s5 =	simm.s32 $_scs_section_size  }
0x9b: {  	s6 =	simm.s32 $_size__tile_overlayer_lowered;
	s7 =	simm.s32 $_tile_overlayer_lowered  }
0x9c: {  	s22 =	simm.s32 $0x1BFF;
	s21 =	sshll.u32 s7, $0x1;
	s4 =	sadd.s32 s5, s19  }
0x9d: {  	s8 =	simm.s32 $0x0;
	s20 =	sshll.u32 s6, $0x1;
	s6 =	sadd.s32 s21, s4  }
0x9e: {  	[timem:s8], [sflag:s22] =	dma.local [hbm:s6], s20  }
0x9f: {  	_ =	swait.ge [sflag:s22], s20  }
0xa0: {  	s5 =	ssub.s32 $0x0, s20;
	[sflag:s22] =	ssyncset.done $0x0  }
0xa1: {  	[sflag:s22] =	ssyncadd.s32 s5;
	_ =	sdelay $0x1  }
0xa2: {  	s23 =	simm.s32 $0x1B8B  }
0xa3: {  	_ =	swait.ge [sflag:s23], $0x1  }
0xa4: {  	[sflag:s23] =	ssyncset.done $0x0  }
0xa5: {  	s25 =	simm.s32 $0x1B8E;
	s24 =	sld [smem:$0x3FFE];
	[sflag:s23] =	ssyncadd.s32 $0xFFFFFFFF  }
0xa6: {  	s26 =	simm.s32 $execute0_lowered;
	[smem:$0x3FD2] =	sst s25  }
0xa7: {  	s6 =	sshll.u32 s26, $0x1;
	_ =	strace $0x80000046;
	[dreg:$0x1] =	wrdreg $0xFFFFFFFF  }
0xa8: {  	s28 =	simm.s32 $_size_execute0_lowered;
	s4 =	sadd.s32 s4, s6;
	[dreg:$0x0] =	wrdreg $0x0  }
0xa9: {  	s6 =	sshll.u32 s28, $0x1;
	[dreg:$0x2] =	wrdreg s4  }
0xaa: {  	[dreg:$0x3] =	wrdreg s6  }
0xab: {  	[dreg:$0x4] =	wrdreg $0xC0  }
0xac: {  	_ =	task [dreg:s8], $0x5FFFF  }
0xad: {  	[dreg:$0x1] =	wrdreg $0xFFFFFFFF  }
0xae: {  	[dreg:$0x0] =	wrdreg $0x60  }
0xaf: {  	[dreg:$0x2] =	wrdreg s2  }
0xb0: {  	[dreg:$0x3] =	wrdreg s18  }
0xb1: {  	[dreg:$0x4] =	wrdreg s24  }
0xb2: {  	[dreg:$0x5] =	wrdreg $0x9  }
0xb3: {  	_ =	task.clear_ibuf [dreg:s8], $0x6FFFF;
	_ =	strace $0x90000046  }
0xb4: {  	s29 =	simm.s32 $0x9;
	_ =	strace $0x80000048  }
0xb5: {  	_ =	swait.ge [sflag:s29], $0x1  }
0xb6: {  	[sflag:s29] =	ssyncadd.s32 $0xFFFFFFFF  }
0xb7: {  	_ =	strace $0x90000048  }
0xb8: {  	_ =	sfence  }
0xb9: {  	s30 =	sld [smem:$0x0];
	_ =	sdelay $0x2  }
0xba: {  	s31 =	sshll.u32 s1, $0xD;
	s1 =	sshrl.u32 s1, $0x2  }
0xbb: {  	s3 =	sand.u32 $0x4000, s31;
	s1 =	sadd.s32 s1, s30  }
0xbc: {  	s0 =	sor.u32 s3, s0;
	s1 =	sshll.u32 s1, $0x11  }
0xbd: {  	s0 =	sor.u32 s1, s0  }
0xbe: {  	s0 =	sadd.s32 $0x8F2B, s0  }
0xbf: {  	[sflag:s0] =	ssyncadd.remote.s32 $0x1  }
0xc0: {  	_ =	sfence.sel $0xFFFF  }
0xc1: {  	[dreg:$0x0] =	wrdreg $0xFFFFFFFF;
	(pc) =	sbr.abs _section_cstart, $3  }
0xc2: {  	[dreg:$0x1] =	wrdreg $0xFFFFFFFF  }
0xc3: {  	_ =	task.clear_ibuf [dreg:s8], $0x2FFFF;
	_ =	strace $0x9FFFFFFF  }
0xc4: {  	(tm) =	ssettm $0x7FFFFFFF  }
0xc5: {  	_ =	shalt  }
tec
execute0_lowered:
.L_overlay_start_1:
0x0: {  	(tag) =	ssettag $0x1  }
0x1: {  	s3 =	rddreg [dreg:$0x0]  }
0x2: {  	s4 =	rddreg [dreg:$0x1]  }
0x3: {  	s5 =	rddreg [dreg:$0x2]  }
0x4: {  	s0 =	rddreg [dreg:$0x3]  }
0x5: {  	s2 =	simm.s32 $0x0;
	s6 =	srdreg.scid;
	s1 =	stileid.u32  }
0x6: {  	s12 =	simm.s32 $0xC00;
	s13 =	simm.s32 $0x1000;
	s14 =	simm.s32 $0x1  }
0x7: {  	s15 =	simm.s32 $0x1400;
	s16 =	simm.s32 $0x1C00;
	s17 =	simm.s32 $0x1D00  }
0x8: {  	s18 =	simm.s32 $0x1E00;
	s19 =	simm.s32 $0x2;
	s20 =	simm.s32 $0x0  }
0x9: {  	[smem:$0x7FF] =	sst s2;
	s6 =	sand.u32 $0x1, s6;
	s7 =	sshll.u32 s1, $0x1  }
0xa: {  	_ =	strace $0x80000047;
	s7 =	sor.u32 s6, s7;
	s6 =	ssub.s32 $0x2, s6  }
0xb: {  	s8 =	sshll.u32 s7, $0x7;
	s7 =	sshll.u32 s7, $0x8;
	s9 =	sshrl.u32 s6, $0x1  }
0xc: {  	v2 =	vlaneseq.u32;
	s10 =	sadd.s32 s8, s5;
	s11 =	sadd.s32 s7, s5;
	s9 =	ssub.s32 s6, s9  }
0xd: {  	v5 =	vmul.u32 $0x80, v2;
	s3 =	sadd.s32 s3, s8;
	s4 =	sadd.s32 s4, s8;
	s5 =	sadd.s32 $0x3200, s10  }
0xe: {  	v0 =	vimm.f32 $0.0e+00;
	v1 =	vimm.f32 $1.000000000e+00;
	v2 =	vmul.u32 $0x10, v2;
	s6 =	sadd.s32 $0x2200, s10;
	s7 =	sadd.s32 $0x1200, s10;
	s8 =	sadd.s32 $0x4200, s11  }
0xf: {  	v3 =	vor.u32 $0x64, v5;
	v4 =	vor.u32 $0x65, v5;
	v5 =	vor.u32 $0x66, v5;
	s9 =	smax.u32 s9, $0x1;
	s10 =	simm.s32 $0x400;
	s11 =	simm.s32 $0x800  }
.LBB2_1:
0x10: {  	[tilespmem:s2], [sflag:$0x1] =	stream.linear.gather [hbm4b:s3+s2], $0x400, $0x38;
	[tilespmem:$0x1F00] =	vst v63  }
0x11: {  	_ = 	snop  }
0x12: {  	[tilespmem:s10], [sflag:$0x1] =	stream.linear.gather [hbm4b:s4+s2], $0x400, $0x38;
	[tilespmem:$0x1F00] =	vst v63  }
0x13: {  	_ = 	snop  }
0x14: {  	[tilespmem:s11], [sflag:$0x1] =	stream.linear.gather [hbm4b:s5+s2], $0x400, $0x38;
	[tilespmem:$0x1F00] =	vst v63  }
0x15: {  	_ = 	snop  }
0x16: {  	[tilespmem:s12], [sflag:$0x1] =	stream.linear.gather [hbm4b:s6+s2], $0x400, $0x38;
	[tilespmem:$0x1F00] =	vst v63  }
0x17: {  	s21 =	simm.s32 $0x0;
	s22 =	simm.s32 $0x200  }
0x18: {  	[tilespmem:s13], [sflag:$0x1] =	stream.linear.gather [hbm4b:s7+s2], $0x400, $0x38;
	[tilespmem:$0x1F00] =	vst v63  }
.LBB2_2:
0x19: {  	p0 =	sne.s32 s22, $0x1E00;
	[tilespmem:s21+$0x1470] =	vst v0  }
0x1a: {  	[tilespmem:s21+$0x1400] =	vst v0  }
0x1b: {  	[tilespmem:s21+$0x1410] =	vst v0  }
.Ltmp0:
0x1c: {  	[tilespmem:s21+$0x1420] =	vst v0;
	(pc) =	sbr.rel @p0 .LBB2_2-.Ltmp0, $4  }
0x1d: {  	[tilespmem:s21+$0x1430] =	vst v0  }
0x1e: {  	[tilespmem:s21+$0x1440] =	vst v0  }
0x1f: {  	[tilespmem:s21+$0x1450] =	vst v0  }
0x20: {  	[tilespmem:s21+$0x1460] =	vst v0;
	s21 =	sshra.s32 s22, $0x2;
	s22 =	sadd.s32 $0x200, s22  }
0x21: {  	[tilespmem:s21+$0x1470] =	vst v0  }
0x22: {  	[tilespmem:s21+$0x1400] =	vst v0  }
0x23: {  	[tilespmem:s21+$0x1410] =	vst v0  }
0x24: {  	[tilespmem:s21+$0x1420] =	vst v0  }
0x25: {  	[tilespmem:s21+$0x1430] =	vst v0  }
0x26: {  	[tilespmem:s21+$0x1440] =	vst v0  }
0x27: {  	[tilespmem:s21+$0x1450] =	vst v0  }
0x28: {  	[tilespmem:s21+$0x1460] =	vst v0  }
0x29: {  	[tilespmem:$0x1C00] =	vst v0  }
0x2a: {  	[tilespmem:$0x1D00] =	vst v0  }
0x2b: {  	[tilespmem:$0x1E00] =	vst v0  }
0x2c: {  	[tilespmem:$0x1C10] =	vst v0  }
0x2d: {  	[tilespmem:$0x1D10] =	vst v0  }
0x2e: {  	[tilespmem:$0x1E10] =	vst v0  }
0x2f: {  	[tilespmem:$0x1C20] =	vst v0  }
0x30: {  	[tilespmem:$0x1D20] =	vst v0  }
0x31: {  	[tilespmem:$0x1E20] =	vst v0  }
0x32: {  	[tilespmem:$0x1C30] =	vst v0  }
0x33: {  	[tilespmem:$0x1D30] =	vst v0  }
0x34: {  	[tilespmem:$0x1E30] =	vst v0  }
0x35: {  	[tilespmem:$0x1C40] =	vst v0  }
0x36: {  	[tilespmem:$0x1D40] =	vst v0  }
0x37: {  	[tilespmem:$0x1E40] =	vst v0  }
0x38: {  	[tilespmem:$0x1C50] =	vst v0  }
0x39: {  	[tilespmem:$0x1D50] =	vst v0  }
0x3a: {  	[tilespmem:$0x1E50] =	vst v0  }
0x3b: {  	[tilespmem:$0x1C60] =	vst v0  }
0x3c: {  	[tilespmem:$0x1D60] =	vst v0  }
0x3d: {  	[tilespmem:$0x1E60] =	vst v0  }
0x3e: {  	[tilespmem:$0x1C70] =	vst v0  }
0x3f: {  	[tilespmem:$0x1D70] =	vst v0  }
0x40: {  	[tilespmem:$0x1E70] =	vst v0  }
0x41: {  	[tilespmem:$0x1C80] =	vst v0  }
0x42: {  	[tilespmem:$0x1D80] =	vst v0  }
0x43: {  	[tilespmem:$0x1E80] =	vst v0  }
0x44: {  	[tilespmem:$0x1C90] =	vst v0  }
0x45: {  	[tilespmem:$0x1D90] =	vst v0  }
0x46: {  	[tilespmem:$0x1E90] =	vst v0  }
0x47: {  	[tilespmem:$0x1CA0] =	vst v0  }
0x48: {  	[tilespmem:$0x1DA0] =	vst v0  }
0x49: {  	[tilespmem:$0x1EA0] =	vst v0  }
0x4a: {  	[tilespmem:$0x1CB0] =	vst v0  }
0x4b: {  	[tilespmem:$0x1DB0] =	vst v0  }
0x4c: {  	[tilespmem:$0x1EB0] =	vst v0  }
0x4d: {  	[tilespmem:$0x1CC0] =	vst v0  }
0x4e: {  	[tilespmem:$0x1DC0] =	vst v0  }
0x4f: {  	[tilespmem:$0x1EC0] =	vst v0  }
0x50: {  	[tilespmem:$0x1CD0] =	vst v0  }
0x51: {  	[tilespmem:$0x1DD0] =	vst v0  }
0x52: {  	[tilespmem:$0x1ED0] =	vst v0  }
0x53: {  	[tilespmem:$0x1CE0] =	vst v0  }
0x54: {  	[tilespmem:$0x1DE0] =	vst v0  }
0x55: {  	[tilespmem:$0x1EE0] =	vst v0  }
0x56: {  	[tilespmem:$0x1CF0] =	vst v0  }
0x57: {  	[tilespmem:$0x1DF0] =	vst v0  }
0x58: {  	[tilespmem:$0x1EF0] =	vst v0  }
0x59: {  	_ =	swait.ge [sflag:s14], $0x400  }
0x5a: {  	[sflag:s14] =	ssyncset.done $0x0  }
0x5b: {  	[sflag:s14] =	ssyncadd.s32 $0xFFFFFC00  }
0x5c: {  	_ =	swait.ge [sflag:s14], $0x400  }
0x5d: {  	[sflag:s14] =	ssyncset.done $0x0  }
0x5e: {  	[sflag:s14] =	ssyncadd.s32 $0xFFFFFC00  }
0x5f: {  	_ =	swait.ge [sflag:s14], $0x400  }
0x60: {  	[sflag:s14] =	ssyncset.done $0x0  }
0x61: {  	[sflag:s14] =	ssyncadd.s32 $0xFFFFFC00  }
0x62: {  	_ =	swait.ge [sflag:s14], $0x400  }
0x63: {  	[sflag:s14] =	ssyncset.done $0x0  }
0x64: {  	[sflag:s14] =	ssyncadd.s32 $0xFFFFFC00  }
0x65: {  	_ =	swait.ge [sflag:s14], $0x400  }
0x66: {  	[sflag:s14] =	ssyncset.done $0x0  }
0x67: {  	s21 =	simm.s32 $0x0;
	[sflag:s14] =	ssyncadd.s32 $0xFFFFFC00  }
.LBB2_4:
0x68: {  	s22 =	sshra.s32 s21, $0x2  }
0x69: {  	v6 =	vld [tilespmem:s22+$0x0]  }
0x6a: {  	v7 =	vld [tilespmem:s22+$0x400];
	_ =	sdelay $0x4  }
0x6b: {  	v8 =	vand.u32 $0xFFFFFF80, v6;
	v9 =	vshll.u32 v7, $0x7  }
0x6c: {  	v6 =	vand.u32 $0x7F, v6;
	v8 =	vadd.s32 v8, v9  }
0x6d: {  	v6 =	vor.u32 v6, v8  }
0x6e: {  	v58 =	vld [tilespmem:s22+$0x800];
	v7 =	vadd.s32 v2, v7  }
0x6f: {  	v59 =	vld [tilespmem:s22+$0xC00]  }
0x70: {  	v10 =	vld [tilespmem:s22+$0x1000];
	_ =	sdelay $0x1  }
0x71: {  	[tilespmem:v6+s15+$0x0] =	vst.idx.add.f32.msk $0xffff, v1  }
0x72: {  	[tilespmem:v7+s16+$0x0] =	vst.idx.add.f32.msk $0xffff, v58  }
0x73: {  	[tilespmem:v7+s17+$0x0] =	vst.idx.add.f32.msk $0xffff, v59  }
0x74: {  	[tilespmem:v7+s18+$0x0] =	vst.idx.add.f32.msk $0xffff, v10  }
0x75: {  	v6 =	vld [tilespmem:s22+$0x10]  }
0x76: {  	v7 =	vld [tilespmem:s22+$0x410];
	_ =	sdelay $0x4  }
0x77: {  	v60 =	vand.u32 $0xFFFFFF80, v6;
	v61 =	vshll.u32 v7, $0x7  }
0x78: {  	v6 =	vand.u32 $0x7F, v6;
	v8 =	vadd.s32 v60, v61  }
0x79: {  	v6 =	vor.u32 v6, v8  }
0x7a: {  	v62 =	vld [tilespmem:s22+$0x810];
	v7 =	vadd.s32 v2, v7  }
0x7b: {  	v63 =	vld [tilespmem:s22+$0xC10]  }
0x7c: {  	p0 =	sne.s32 s21, $0xF80;
	v10 =	vld [tilespmem:s22+$0x1010]  }
.Ltmp1:
0x7d: {  	_ = 	snop;
	(pc) =	sbr.rel @p0 .LBB2_4-.Ltmp1, $4  }
0x7e: {  	[tilespmem:v6+s15+$0x0] =	vst.idx.add.f32.msk $0xffff, v1  }
0x7f: {  	[tilespmem:v7+s16+$0x0] =	vst.idx.add.f32.msk $0xffff, v62  }
0x80: {  	[tilespmem:v7+s17+$0x0] =	vst.idx.add.f32.msk $0xffff, v63  }
0x81: {  	s21 =	sadd.s32 $0x80, s21;
	[tilespmem:v7+s18+$0x0] =	vst.idx.add.f32.msk $0xffff, v10  }
0x82: {  	s22 =	simm.s32 $0x0  }
0x83: {  	v7 =	vld [tilespmem:s22+$0x1E00]  }
0x84: {  	v8 =	vld [tilespmem:s22+$0x1C00]  }
0x85: {  	v6 =	vimm.f32 $0.0e+00;
	s21 =	simm.s32 $0x40;
	v9 =	vimm.f32 $0.0e+00;
	v10 =	vimm.f32 $0.0e+00;
	v11 =	vld [tilespmem:s22+$0x1D00]  }
.LBB2_6:
0x86: {  	p0 =	sne.s32 s21, $0x3C0  }
.Ltmp2:
0x87: {  	_ = 	snop;
	(pc) =	sbr.rel @p0 .LBB2_6-.Ltmp2, $4  }
0x88: {  	s22 =	sshra.s32 s21, $0x2  }
0x89: {  	v6 =	vadd.f32 v7, v6;
	v7 =	vld [tilespmem:s22+$0x1E00]  }
0x8a: {  	v9 =	vadd.f32 v8, v9;
	v8 =	vld [tilespmem:s22+$0x1C00]  }
0x8b: {  	s21 =	sadd.s32 $0x40, s21;
	v10 =	vadd.f32 v11, v10;
	v11 =	vld [tilespmem:s22+$0x1D00]  }
0x8c: {  	_ =	sdelay $0x2  }
0x8d: {  	v8 =	vadd.f32 v8, v9  }
0x8e: {  	v63 =	vadd.f32 v11, v10  }
0x8f: {  	s20 =	sadd.s32 $0x1, s20;
	v6 =	vadd.f32 v7, v6;
	[tilespmem:v3+s15+$0x0] =	vst.idx.msk $0xffff, v8  }
0x90: {  	p0 =	sne.s32 s20, s9;
	[tilespmem:v4+s15+$0x0] =	vst.idx.msk $0xffff, v63  }
.Ltmp3:
0x91: {  	[tilespmem:v5+s15+$0x0] =	vst.idx.msk $0xffff, v6;
	(pc) =	sbr.rel @p0 .LBB2_1-.Ltmp3, $4  }
0x92: {  	[hbm4b:s8+s2] =	stream.linear.scatter [tilespmem:s15], [sflag:$0x2], $0x800, $0x38;
	[tilespmem:$0x1F00] =	vst v63  }
0x93: {  	_ =	swait.ge [sflag:s19], $0x800  }
0x94: {  	[sflag:s19] =	ssyncset.done $0x0  }
0x95: {  	[sflag:s19] =	ssyncadd.s32 $0xFFFFF800  }
0x96: {  	_ =	sfence.sel $0x180000  }
0x97: {  	[bflag:$0x0] =	sbarrier.arrive $0xFFFF  }
0x98: {  	p0 =	sne.s32 s1, $0x0;
	_ =	strace $0x90000047  }
0x99: {  	s0 =	sadd.s32 @!p0 $0x100000, s0;
	[bflag:$0x2] =	sbarrier.arrive $0xFFFF  }
0x9a: {  	[sflag:s0] =	ssyncadd.tile.s32 @!p0 $0x1;
	_ =	shalt  }
.Lfunc_end2:
_tile_overlayer_lowered:
.L_overlay_start_2:
0x9b: {  	(tag) =	ssettag $0x2  }
0x9c: {  	s0 =	rddreg [dreg:$0x0];
	s2 =	stileid.u32  }
0x9d: {  	s1 =	rddreg [dreg:$0x1];
	p0 =	sne.s32 s2, $0x0  }
0x9e: {  	s3 =	rddreg [dreg:$0x2];
	[bflag:$0x3] =	sbarrier.arrive $0xFFFF;
	s2 =	simm.s32 @!p0 $0x1C02  }
0x9f: {  	[timem:s3], [sflag:s2] =	dma.local @!p0 [hbm:s0], s1  }
0xa0: {  	s0 =	simm.s32 @!p0 $0x2  }
0xa1: {  	_ =	swait.ge @!p0 [sflag:s0], s1  }
0xa2: {  	s1 =	ssub.s32 @!p0 $0x0, s1;
	[sflag:s0] =	ssyncset.done @!p0 $0x0  }
0xa3: {  	[sflag:s0] =	ssyncadd.s32 @!p0 s1  }
0xa4: {  	[bflag:$0x3] =	sbarrier.arrive $0xFFFF  }
0xa5: {  	_ =	shalt  }

</sc_bundles>
